<compile_context>
chip_gen: v7x
topology: tpu7x:2x2x1
jax: 0.10.2.dev20260603
libtpu: 0.0.44.dev20260713+nightly
codegen_flags: <defaults>
</compile_context>

<pallas_src>
import functools

import jax
import jax.numpy as jnp
from jax import lax
from jax.experimental import pallas as pl

_B, _T, _CS1, _G, _H, _W = 16, 6, 12, 8, 256, 256
_HID = 16
_CIN = _CS1 + 2 * _T

_ROWS = _H + 4
_CHUNKS = _W // 8
_XCROWS = _ROWS * _CHUNKS
_HROWS = (_H + 2) * _CHUNKS
_OROWS = _H * _CHUNKS


def _conv_kernel(xc_ref, glob_ref, wg_ref, b1_ref, bb1_ref, bb2_ref, b2_ref,
                 out_ref):
    out_ref[0] = (xc_ref[0, 0:256, 0:192].sum()
                  + jnp.zeros((256, 256), jnp.float32))
    return
    g = jnp.dot(glob_ref[0], wg_ref[...],
                preferred_element_type=jnp.float32)
    bias16 = g + b1_ref[...]
    bias128 = jnp.tile(bias16, (1, 8))

    xc = xc_ref[0]

    h = jnp.zeros((_HROWS, 128), dtype=jnp.float32)
    for dy in range(3):
        h = h + lax.dot_general(
            xc[dy * _CHUNKS: dy * _CHUNKS + _HROWS], bb1_ref[dy],
            ((( 1,), (0,)), ((), ())),
            preferred_element_type=jnp.float32)
    h = jnp.maximum(h + bias128, 0.0)
    rall = lax.broadcasted_iota(jnp.int32, (_HROWS, 1), 0)
    h = jnp.where((rall >= _CHUNKS) & (rall < _HROWS - _CHUNKS), h, 0.0)

    zeros16 = jnp.zeros((1, 16), dtype=jnp.float32)
    left = jnp.concatenate([zeros16, h[:-1, 112:128]], axis=0)
    right = jnp.concatenate([h[1:, 0:16], zeros16], axis=0)
    ridx = lax.broadcasted_iota(jnp.int32, (_HROWS, 1), 0) % _CHUNKS
    left = jnp.where(ridx == 0, 0.0, left)
    right = jnp.where(ridx == _CHUNKS - 1, 0.0, right)
    hw = jnp.concatenate([left, h, right], axis=1)

    q = lax.dot_general(hw, bb2_ref[...], (((1,), (0,)), ((), ())),
                        preferred_element_type=jnp.float32)

    acc = q[0:_OROWS, 0:8]
    acc = acc + q[_CHUNKS:_CHUNKS + _OROWS, 8:16]
    acc = acc + q[2 * _CHUNKS:2 * _CHUNKS + _OROWS, 16:24]
    acc = acc + b2_ref[...]
    acc3 = acc.reshape(_H, _CHUNKS, 8)
    for k in range(_CHUNKS):
        out_ref[0, :, 8 * k: 8 * k + 8] = acc3[:, k, :]


def _band_w1(w1):
    wp = jnp.transpose(w1, (2, 3, 1, 0))
    b = jnp.zeros((3, 10, _CIN, 8, _HID), dtype=jnp.float32)
    j = jnp.arange(8)
    for dx in range(3):
        val = jnp.broadcast_to(wp[:, dx][None, :, :, :], (8, 3, _CIN, _HID))
        b = b.at[:, j + dx, :, j, :].set(val)
    return b.reshape(3, 240, 128)


def _band_w2(w2):
    wp = jnp.transpose(w2[0], (0, 1, 2))
    b = jnp.zeros((10, _HID, 3, 8), dtype=jnp.float32)
    j = jnp.arange(8)
    for dx in range(3):
        val = jnp.broadcast_to(wp[:, :, dx][None], (8, _HID, 3))
        b = b.at[j + dx, :, :, j].set(val)
    return b.reshape(160, 24)


@functools.partial(jax.jit, static_argnames=())
def kernel(s1_data, in_lai, in_mask_lai, glob, W1, b1, Wg, W2, b2):
    x = jnp.concatenate([s1_data, in_lai, in_mask_lai], axis=1)
    xpn = jnp.pad(x, ((0, 0), (0, 0), (2, 2), (1, 7)))
    xc = jnp.transpose(xpn.reshape(_B, _CIN, _ROWS, 33, 8),
                       (0, 2, 3, 4, 1)).reshape(_B, 8580, 192)

    bb1 = _band_w1(W1)
    bb2 = _band_w2(W2)
    glob3 = glob.reshape(_B, 1, _G)

    out = pl.pallas_call(
        _conv_kernel,
        grid=(_B,),
        in_specs=[
            pl.BlockSpec((1, 8580, 192), lambda b: (b, 0, 0)),
            pl.BlockSpec((1, 1, _G), lambda b: (b, 0, 0)),
            pl.BlockSpec((_G, _HID), lambda b: (0, 0)),
            pl.BlockSpec((1, _HID), lambda b: (0, 0)),
            pl.BlockSpec((3, 240, 128), lambda b: (0, 0, 0)),
            pl.BlockSpec((160, 24), lambda b: (0, 0)),
            pl.BlockSpec((1, 8), lambda b: (0, 0)),
        ],
        out_specs=pl.BlockSpec((1, _H, _W), lambda b: (b, 0, 0)),
        out_shape=jax.ShapeDtypeStruct((_B, _H, _W), jnp.float32),
    )(xc, glob3, Wg, b1.reshape(1, _HID), bb1, bb2,
      jnp.broadcast_to(b2.reshape(1, 1), (1, 8)))

    return (out.reshape(_B, 1, _H, _W),)

# --- scband reference (transcript-rebuilt; emitter-appended) ---
"""Pipeline reference for scband-cloud-molecule-8246337208653 (READ-ONLY COPY).

The authoritative reference and input builder live on the scoring server;
editing this copy changes nothing except your own understanding.
"""

import jax, jax.numpy as jnp
import numpy as np
from jax import lax

B, T, CS1, G, H, W = 16, 6, 12, 8, 256, 256
HID = 16
CLOUD_PROP = 0.05


def conv2d(x, w, b):
    y = lax.conv_general_dilated(x, w, window_strides=(1, 1), padding='SAME',
                                 dimension_numbers=('NCHW', 'OIHW', 'NCHW'))
    return y + b[None, :, None, None]


def atom_forward(s1_data, in_lai, in_mask_lai, glob, W1, b1, Wg, W2, b2):
    # Simple Atom expert: concat inputs -> conv -> +glob bias -> relu -> conv
    x = jnp.concatenate([s1_data, in_lai, in_mask_lai], axis=1)
    g = glob @ Wg  # [b, HID]
    h = jax.nn.relu(conv2d(x, W1, b1) + g[:, :, None, None])
    return conv2d(h, W2, b2)  # [b, 1, H, W]


def setup_inputs(seed: int = 0) -> dict:
    key = jax.random.key(seed)
    ks = jax.random.split(key, 10)
    s1_data = jax.random.normal(ks[0], (B, CS1, H, W), dtype=jnp.float32)
    in_lai = jax.random.uniform(ks[1], (B, T, H, W), dtype=jnp.float32) * 8.0
    # per-sample cloud fraction in [0, 0.1] so that ~half the batch crosses the 0.05 threshold
    cloud_frac = jax.random.uniform(ks[2], (B, 1, 1, 1), dtype=jnp.float32) * 0.1
    u = jax.random.uniform(ks[3], (B, T, H, W), dtype=jnp.float32)
    in_mask_lai = (u > cloud_frac).astype(jnp.float32)  # 1 = clear, 0 = cloud
    glob = jax.random.normal(ks[4], (B, G), dtype=jnp.float32)
    CIN = CS1 + 2 * T
    W1 = jax.random.normal(ks[5], (HID, CIN, 3, 3), dtype=jnp.float32) * 0.05
    b1 = jnp.zeros((HID,), dtype=jnp.float32)
    Wg = jax.random.normal(ks[6], (G, HID), dtype=jnp.float32) * 0.1
    W2 = jax.random.normal(ks[7], (1, HID, 3, 3), dtype=jnp.float32) * 0.05
    b2 = jnp.zeros((1,), dtype=jnp.float32)
    return {'s1_data': s1_data, 'in_lai': in_lai, 'in_mask_lai': in_mask_lai,
            'glob': glob, 'W1': W1, 'b1': b1, 'Wg': Wg, 'W2': W2, 'b2': b2}


def reference(s1_data, in_lai, in_mask_lai, glob, W1, b1, Wg, W2, b2):
    # filter_cloud (no_grad in original)
    clouds = 1.0 - in_mask_lai[:, 0:1, :, :]
    sum_clouds = jnp.sum(clouds, axis=(2, 3))
    sum_clouds = jnp.max(sum_clouds, axis=1)
    thresh = CLOUD_PROP * 256 ** 2
    is_cloud = sum_clouds >= thresh
    is_nocloud = sum_clouds < thresh

    out_lai = jnp.zeros((in_lai.shape[0], 1, 256, 256), dtype=jnp.float32)
    out_all = atom_forward(s1_data, in_lai, in_mask_lai, glob,
                           W1, b1, Wg, W2, b2)
    out_lai = jnp.where(is_cloud[:, None, None, None], out_all, out_lai)
    out_lai = jnp.where(is_nocloud[:, None, None, None], out_all, out_lai)
    return (out_lai,)

if __name__ == "__main__":
    import jax
    _d = setup_inputs()
    print(jax.jit(kernel)(*tuple(_d.values())))

</pallas_src>

<mosaic_0001>
module attributes {stable_mosaic.version = 14 : i64} {
  func.func @_conv_kernel(%arg0: i32, %arg1: memref<1x8580x192xf32, #tpu.memory_space<vmem>>, %arg2: memref<1x1x8xf32, #tpu.memory_space<vmem>>, %arg3: memref<8x16xf32, #tpu.memory_space<vmem>>, %arg4: memref<1x16xf32, #tpu.memory_space<vmem>>, %arg5: memref<3x240x128xf32, #tpu.memory_space<vmem>>, %arg6: memref<160x24xf32, #tpu.memory_space<vmem>>, %arg7: memref<1x8xf32, #tpu.memory_space<vmem>>, %arg8: memref<1x256x256xf32, #tpu.memory_space<vmem>>) attributes {dimension_semantics = [#tpu.dimension_semantics<arbitrary>], iteration_bounds = array<i64: 16>, scalar_prefetch = 0 : i64, scratch_operands = 0 : i64, tpu.core_type = #tpu.core_type<tc>, window_params = [{transform_indices = @transform_0, window_bounds = array<i64: 1, 8580, 192>}, {transform_indices = @transform_1, window_bounds = array<i64: 1, 1, 8>}, {pipeline_mode = #tpu.pipeline_mode<synchronous>, transform_indices = @transform_2, window_bounds = array<i64: 8, 16>}, {pipeline_mode = #tpu.pipeline_mode<synchronous>, transform_indices = @transform_3, window_bounds = array<i64: 1, 16>}, {pipeline_mode = #tpu.pipeline_mode<synchronous>, transform_indices = @transform_4, window_bounds = array<i64: 3, 240, 128>}, {pipeline_mode = #tpu.pipeline_mode<synchronous>, transform_indices = @transform_5, window_bounds = array<i64: 160, 24>}, {pipeline_mode = #tpu.pipeline_mode<synchronous>, transform_indices = @transform_6, window_bounds = array<i64: 1, 8>}, {transform_indices = @transform_7, window_bounds = array<i64: 1, 256, 256>}]} {
    %get3A = arith.constant 0 : index
    %get3A_0 = arith.constant 0 : index
    %get3A_1 = arith.constant 0 : index
    %get3A_2 = vector.load %arg1[%get3A, %get3A_0, %get3A_1] : memref<1x8580x192xf32, #tpu.memory_space<vmem>>, vector<1x256x192xf32>
    %get3A_3 = vector.shape_cast %get3A_2 : vector<1x256x192xf32> to vector<256x192xf32>
    %reduce_sum3A = vector.shape_cast %get3A_3 : vector<256x192xf32> to vector<1x256x192xf32>
    %reduce_sum3A_4 = arith.constant dense<0.000000e+00> : vector<1xf32>
    %reduce_sum3A_5 = vector.multi_reduction <add>, %reduce_sum3A, %reduce_sum3A_4 [1, 2] : vector<1x256x192xf32> to vector<1xf32>
    %reduce_sum3A_6 = vector.shape_cast %reduce_sum3A_5 : vector<1xf32> to vector<1x1x1xf32>
    %reduce_sum3A_7 = vector.extract %reduce_sum3A_6[0, 0, 0] : f32 from vector<1x1x1xf32>
    %broadcast_in_dim3A = arith.constant 0.000000e+00 : f32
    %broadcast_in_dim3A_8 = vector.broadcast %broadcast_in_dim3A : f32 to vector<256x256xf32>
    %add3A = vector.broadcast %reduce_sum3A_7 : f32 to vector<256x256xf32>
    %add3A_9 = arith.addf %add3A, %broadcast_in_dim3A_8 : vector<256x256xf32>
    %swap3A = arith.constant 0 : index
    %swap3A_10 = arith.constant 0 : index
    %swap3A_11 = arith.constant 0 : index
    %swap3A_12 = vector.load %arg8[%swap3A, %swap3A_10, %swap3A_11] : memref<1x256x256xf32, #tpu.memory_space<vmem>>, vector<1x256x256xf32>
    %swap3A_13 = vector.shape_cast %swap3A_12 : vector<1x256x256xf32> to vector<256x256xf32>
    %swap3A_14 = vector.shape_cast %add3A_9 : vector<256x256xf32> to vector<1x256x256xf32>
    tpu.vector_store %arg8[%swap3A, %swap3A_10, %swap3A_11], %swap3A_14 {strides = array<i32>} : memref<1x256x256xf32, #tpu.memory_space<vmem>>, vector<1x256x256xf32>,
    return
  }
  func.func @transform_0(%arg0: i32) -> (i32, i32, i32) {
    %c0_i32 = arith.constant 0 : i32
    %c0_i32_0 = arith.constant 0 : i32
    %c0_i32_1 = arith.constant 0 : i32
    return %arg0, %c0_i32, %c0_i32_0 : i32, i32, i32
  }
  func.func @transform_1(%arg0: i32) -> (i32, i32, i32) {
    %c0_i32 = arith.constant 0 : i32
    %c0_i32_0 = arith.constant 0 : i32
    %c0_i32_1 = arith.constant 0 : i32
    return %arg0, %c0_i32, %c0_i32_0 : i32, i32, i32
  }
  func.func @transform_2(%arg0: i32) -> (i32, i32) {
    %c0_i32 = arith.constant 0 : i32
    %c0_i32_0 = arith.constant 0 : i32
    %c0_i32_1 = arith.constant 0 : i32
    return %c0_i32, %c0_i32_0 : i32, i32
  }
  func.func @transform_3(%arg0: i32) -> (i32, i32) {
    %c0_i32 = arith.constant 0 : i32
    %c0_i32_0 = arith.constant 0 : i32
    %c0_i32_1 = arith.constant 0 : i32
    return %c0_i32, %c0_i32_0 : i32, i32
  }
  func.func @transform_4(%arg0: i32) -> (i32, i32, i32) {
    %c0_i32 = arith.constant 0 : i32
    %c0_i32_0 = arith.constant 0 : i32
    %c0_i32_1 = arith.constant 0 : i32
    %c0_i32_2 = arith.constant 0 : i32
    return %c0_i32, %c0_i32_0, %c0_i32_1 : i32, i32, i32
  }
  func.func @transform_5(%arg0: i32) -> (i32, i32) {
    %c0_i32 = arith.constant 0 : i32
    %c0_i32_0 = arith.constant 0 : i32
    %c0_i32_1 = arith.constant 0 : i32
    return %c0_i32, %c0_i32_0 : i32, i32
  }
  func.func @transform_6(%arg0: i32) -> (i32, i32) {
    %c0_i32 = arith.constant 0 : i32
    %c0_i32_0 = arith.constant 0 : i32
    %c0_i32_1 = arith.constant 0 : i32
    return %c0_i32, %c0_i32_0 : i32, i32
  }
  func.func @transform_7(%arg0: i32) -> (i32, i32, i32) {
    %c0_i32 = arith.constant 0 : i32
    %c0_i32_0 = arith.constant 0 : i32
    %c0_i32_1 = arith.constant 0 : i32
    return %arg0, %c0_i32, %c0_i32_0 : i32, i32, i32
  }
}

</mosaic_0001>

<sc_bundles>
// kernel: sparse-core-data-format-call.cloned.1.call-start
scs
called_computation_lowered:
.L_overlay_start_0:
0x0: {  	s1 =	sld [smem:$0x3FD9]  }
0x1: {  	s2 =	sld [smem:$0x3FFE];
	_ =	sdelay $0x1  }
0x2: {  	s3 =	srdreg.scid  }
0x3: {  	s0 =	sand.u32 $0x1, s3  }
0x4: {  	s17 =	sshll.u32 s0, $0xA;
	s1 =	sadd.s32 s2, s1  }
0x5: {  	s1 =	sadd.s32 s1, s17  }
0x6: {  	[smem:$0x3FBF] =	sst s1  }
0x7: {  	_ = 	snop  }
0x8: {  	(tm) =	ssettm $0x1  }
0x9: {  	s18 =	sld [smem:$0x3FFB];
	_ =	sdelay $0x3  }
0xa: {  	_ =	strace s18  }
0xb: {  	s1 =	sld [smem:$0x3FFC];
	_ =	sdelay $0x3  }
0xc: {  	_ =	strace s1  }
0xd: {  	s1 =	sld [smem:$0x3FFD];
	_ =	sdelay $0x3  }
0xe: {  	_ =	strace s1  }
0xf: {  	_ =	strace $0x8FFFFFFF  }
0x10: {  	s19 =	sld [smem:$0x3FDB];
	_ =	sdelay $0x1  }
0x11: {  	s20 =	simm.s32 $_scs_section_size  }
0x12: {  	s4 =	simm.s32 $_size__tile_overlayer_lowered;
	s5 =	simm.s32 $_tile_overlayer_lowered  }
0x13: {  	s23 =	simm.s32 $0x1BFF;
	s22 =	sshll.u32 s5, $0x1;
	s1 =	sadd.s32 s20, s19  }
0x14: {  	s6 =	simm.s32 $0x0;
	s21 =	sshll.u32 s4, $0x1;
	s4 =	sadd.s32 s22, s1  }
0x15: {  	[timem:s6], [sflag:s23] =	dma.local [hbm:s4], s21  }
0x16: {  	_ =	swait.ge [sflag:s23], s21  }
0x17: {  	s2 =	ssub.s32 $0x0, s21;
	[sflag:s23] =	ssyncset.done $0x0  }
0x18: {  	[sflag:s23] =	ssyncadd.s32 s2;
	_ =	sdelay $0x1  }
0x19: {  	s24 =	simm.s32 $0x1B8B  }
0x1a: {  	_ =	swait.ge [sflag:s24], $0x1  }
0x1b: {  	[sflag:s24] =	ssyncset.done $0x0  }
0x1c: {  	s26 =	simm.s32 $0x1B8E;
	s25 =	sld [smem:$0x3FFE];
	[sflag:s24] =	ssyncadd.s32 $0xFFFFFFFF  }
0x1d: {  	s27 =	simm.s32 $execute0_lowered;
	[smem:$0x3FD2] =	sst s26  }
0x1e: {  	s4 =	sshll.u32 s27, $0x1;
	_ =	strace $0x80000046;
	[dreg:$0x1] =	wrdreg $0xFFFFFFFF  }
0x1f: {  	s28 =	simm.s32 $_size_execute0_lowered;
	s1 =	sadd.s32 s1, s4;
	[dreg:$0x0] =	wrdreg $0x0  }
0x20: {  	s4 =	sshll.u32 s28, $0x1;
	[dreg:$0x2] =	wrdreg s1  }
0x21: {  	[dreg:$0x3] =	wrdreg s4  }
0x22: {  	[dreg:$0x4] =	wrdreg $0xC0  }
0x23: {  	_ =	task [dreg:s6], $0x5FFFF  }
0x24: {  	[dreg:$0x1] =	wrdreg $0xFFFFFFFF  }
0x25: {  	[dreg:$0x0] =	wrdreg $0x60  }
0x26: {  	[dreg:$0x2] =	wrdreg s25  }
0x27: {  	[dreg:$0x3] =	wrdreg $0x9  }
0x28: {  	_ =	task.clear_ibuf [dreg:s6], $0x4FFFF;
	_ =	strace $0x90000046  }
0x29: {  	s29 =	simm.s32 $0x9;
	_ =	strace $0x80000048  }
0x2a: {  	_ =	swait.ge [sflag:s29], $0x1  }
0x2b: {  	[sflag:s29] =	ssyncadd.s32 $0xFFFFFFFF  }
0x2c: {  	_ =	strace $0x90000048  }
0x2d: {  	_ =	sfence  }
0x2e: {  	s30 =	sld [smem:$0x0];
	_ =	sdelay $0x2  }
0x2f: {  	s31 =	sshll.u32 s3, $0xD;
	s3 =	sshrl.u32 s3, $0x2  }
0x30: {  	s2 =	sand.u32 $0x4000, s31;
	s1 =	sadd.s32 s3, s30  }
0x31: {  	s0 =	sor.u32 s2, s0;
	s1 =	sshll.u32 s1, $0x11  }
0x32: {  	s0 =	sor.u32 s1, s0  }
0x33: {  	s0 =	sadd.s32 $0x8F2B, s0  }
0x34: {  	[sflag:s0] =	ssyncadd.remote.s32 $0x1  }
0x35: {  	_ =	sfence.sel $0xFFFF  }
0x36: {  	[dreg:$0x0] =	wrdreg $0xFFFFFFFF;
	(pc) =	sbr.abs _section_cstart, $3  }
0x37: {  	[dreg:$0x1] =	wrdreg $0xFFFFFFFF  }
0x38: {  	_ =	task.clear_ibuf [dreg:s6], $0x2FFFF;
	_ =	strace $0x9FFFFFFF  }
0x39: {  	(tm) =	ssettm $0x7FFFFFFF  }
tec
execute0_lowered:
.L_overlay_start_1:
0x0: {  	(tag) =	ssettag $0x1  }
0x1: {  	s0 =	srdreg.scid;
	s26 =	rddreg [dreg:$0x0];
	_ =	strace $0x80000047  }
0x2: {  	s30 =	simm.s32 $0x1;
	s31 =	simm.s32 $0x2;
	s9 =	stileid.u32  }
0x3: {  	p0 =	por $0x0, $0x0;
	s24 =	simm.s32 $0x0;
	s27 =	simm.s32 $0x0  }
0x4: {  	s25 =	simm.s32 $0x0;
	s28 =	simm.s32 $0x0;
	s13 =	simm.s32 $0x0  }
0x5: {  	s14 =	simm.s32 $0x0;
	s15 =	simm.s32 $0x0;
	s16 =	simm.s32 $0x0  }
0x6: {  	s17 =	simm.s32 $0x0;
	s18 =	simm.s32 $0x0;
	s8 =	sand.u32 $0x1, s0  }
0x7: {  	s19 =	simm.s32 $0x0;
	s22 =	stileid.u32;
	s1 =	ssub.s32 $0x8, s8  }
0x8: {  	s29 =	sadd.s32 $0x240400, s26;
	s0 =	sadd.s32 $0x6E4400, s26;
	s2 =	sshrl.u32 s1, $0x1  }
.Ltmp0:
0x9: {  	[dreg:$0x3] =	wrdreg s29;
	s1 =	ssub.s32 s1, s2;
	(pc) =	sbr.rel .LBB1_1-.Ltmp0, $4  }
0xa: {  	s21 =	simm.s32 $0x0;
	[dreg:$0x5] =	wrdreg s0;
	s11 =	smul.u32 $0x63, s1  }
0xb: {  	s23 =	simm.s32 $0x0;
	[sflag:s30] =	ssyncpa.u1 $0x0;
	[dreg:$0x2] =	wrdreg s8  }
0xc: {  	s26 =	simm.s32 $0x0;
	s12 =	sadd.s32 $0x1, s11;
	[dreg:$0x4] =	wrdreg s11  }
0xd: {  	[sflag:s31] =	ssyncpa.u1 $0x0;
	s20 =	smov.u32 s8;
	[dreg:$0x6] =	wrdreg s12  }
.LBB1_19:
0xe: {  	s16 =	rddreg [dreg:$0xa]  }
0xf: {  	s1 =	rddreg [dreg:$0x18]  }
0x10: {  	s13 =	rddreg [dreg:$0x7]  }
0x11: {  	s2 =	rddreg [dreg:$0x17]  }
0x12: {  	s19 =	rddreg [dreg:$0x1a]  }
0x13: {  	s20 =	rddreg [dreg:$0x19]  }
0x14: {  	s22 =	rddreg [dreg:$0x1b]  }
0x15: {  	s17 =	rddreg [dreg:$0xb]  }
0x16: {  	s24 =	rddreg [dreg:$0x1d]  }
0x17: {  	s15 =	rddreg [dreg:$0x9]  }
0x18: {  	s5 =	rddreg [dreg:$0x5]  }
0x19: {  	s14 =	rddreg [dreg:$0x8]  }
0x1a: {  	s8 =	rddreg [dreg:$0x2]  }
0x1b: {  	s11 =	rddreg [dreg:$0x4]  }
0x1c: {  	s12 =	rddreg [dreg:$0x6]  }
0x1d: {  	s18 =	rddreg [dreg:$0xc];
	p1 =	sgt.s32 s16, $0x60;
	s0 =	smov.u32 s16  }
0x1e: {  	s31 =	simm.s32 $0x8400;
	s27 =	rddreg [dreg:$0x15];
	s0 =	simm.s32 @!p1 $0x60  }
0x1f: {  	s9 =	stileid.u32;
	s28 =	rddreg [dreg:$0x16];
	s0 =	sadd.s32 s1, s0  }
0x20: {  	s23 =	smul.u32 $0x10C200, s17;
	s3 =	sshll.u32 s15, $0x7;
	s1 =	sadd.s32 $0xFFFFFFA0, s0  }
0x21: {  	s4 =	sshrl.u32 s16, $0x3;
	s0 =	ssub.s32 $0x80, s0;
	p1 =	sgt.s32 s1, $0x1F  }
0x22: {  	s25 =	smul.u32 $0x1080, s13;
	s26 =	sshll.u32 s14, $0x4;
	s0 =	simm.s32 @p1 $0x0  }
0x23: {  	s1 =	smov.u32 s13;
	p1 =	sgt.s32 s13, $0x84;
	s0 =	smul.u32 s2, s0  }
0x24: {  	s29 =	sand.u32 $0x7, s16;
	s1 =	simm.s32 @!p1 $0x84;
	s2 =	smul.u32 $0x1080, s24  }
0x25: {  	s24 =	rddreg [dreg:$0x12];
	s1 =	sadd.s32 s19, s1;
	s0 =	smul.u32 s20, s0  }
0x26: {  	s19 =	rddreg [dreg:$0xd];
	s21 =	sadd.s32 $0xFFFFFF7C, s1;
	s1 =	ssub.s32 $0x104, s1  }
0x27: {  	s20 =	rddreg [dreg:$0xe];
	p1 =	sgt.s32 s21, $0x7F;
	s0 =	smul.u32 s22, s0  }
0x28: {  	s4 =	sand.u32 $0xF, s4;
	s21 =	rddreg [dreg:$0xf];
	s1 =	simm.s32 @p1 $0x0  }
0x29: {  	s22 =	rddreg [dreg:$0x10];
	s0 =	smul.u32 s1, s0;
	s1 =	sadd.s32 s5, s23  }
0x2a: {  	s2 =	sor.u32 $0x2000, s2;
	s23 =	rddreg [dreg:$0x11];
	s1 =	sadd.s32 s3, s1  }
0x2b: {  	s3 =	sand.u32 $0x70, s26;
	s26 =	rddreg [dreg:$0x14];
	s1 =	sadd.s32 s4, s1  }
0x2c: {  	s0 =	sand.u32 $0x3FFFFFFF, s0;
	s4 =	sshll.u32 s29, $0x12;
	s1 =	sadd.s32 s25, s1  }
0x2d: {  	s30 =	sor.u32 $0x20, s4;
	s25 =	rddreg [dreg:$0x13];
	s1 =	sadd.s32 s3, s1  }
0x2e: {  	[hbm4b:s1+s30] =	stream.strided.scatter [tilespmem:s2], [sflag:$0x2], s0, s31, s30, $0x10;
	[tilespmem:$0x4100] =	vst v63  }
.LBB1_20:
0x2f: {  	p1 =	slt.u32 s23, $0x2;
	s0 =	smov.u32 s28  }
0x30: {  	s3 =	smov.u32 s26;
	s5 =	smov.u32 s24;
	s6 =	smov.u32 s25  }
0x31: {  	p0 =	por !p0, !p0;
	p2 =	sgt.s32 @!p1 s28, $0xF;
	s1 =	sshra.s32 @!p1 s28, $0x1F  }
0x32: {  	p3 =	sgt.s32 @!p1 s26, $0x84;
	s2 =	sshra.s32 @!p1 s27, $0x1F;
	p2 =	por !p2, p1  }
0x33: {  	s4 =	sshra.s32 @!p1 s26, $0x1F;
	s1 =	sand.u32 @!p1 s1, s28;
	s0 =	simm.s32 @p2 $0xF  }
0x34: {  	p4 =	sgt.s32 @!p1 s25, $0x60;
	p3 =	por !p3, p1;
	s0 =	ssub.s32 @!p1 s0, s1  }
0x35: {  	s2 =	sand.u32 @!p1 s2, s27;
	p4 =	por !p4, p1;
	s1 =	sadd.s32 @!p1 $0xFFFFFFF1, s0  }
0x36: {  	s28 =	smov.u32 s17;
	s17 =	smov.u32 s22;
	p2 =	sgt.s32 @!p1 s1, $0x0  }
0x37: {  	s3 =	simm.s32 @p3 $0x84;
	s0 =	ssub.s32 @!p1 $0x10, s0;
	p2 =	por !p2, p1  }
0x38: {  	p3 =	sgt.s32 @!p1 s24, $0x7;
	s0 =	simm.s32 @!p2 $0x0;
	p2 =	sgt.s32 @!p1 s27, $0x20  }
0x39: {  	p3 =	por !p3, p1;
	s1 =	smov.u32 s27;
	p2 =	por !p2, p1  }
0x3a: {  	s6 =	simm.s32 @p4 $0x60;
	s5 =	simm.s32 @p3 $0x7;
	s1 =	simm.s32 @p2 $0x20  }
0x3b: {  	s27 =	smov.u32 s15;
	s15 =	smov.u32 s19;
	s1 =	ssub.s32 @!p1 s1, s2  }
0x3c: {  	s2 =	sand.u32 @!p1 s4, s26;
	s26 =	smov.u32 s13;
	s4 =	sadd.s32 @!p1 $0xFFFFFFE0, s1  }
0x3d: {  	s2 =	ssub.s32 @!p1 s3, s2;
	s3 =	sshra.s32 @!p1 s24, $0x1F;
	s1 =	ssub.s32 @!p1 $0x21, s1  }
0x3e: {  	p2 =	sgt.s32 @!p1 s4, $0x0;
	s4 =	sshra.s32 @!p1 s25, $0x1F;
	s3 =	sand.u32 @!p1 s3, s24  }
0x3f: {  	s7 =	sadd.s32 @!p1 $0xFFFFFF7C, s2;
	s2 =	ssub.s32 @!p1 $0x104, s2;
	s4 =	sand.u32 @!p1 s4, s25  }
0x40: {  	s3 =	ssub.s32 @!p1 s5, s3;
	p2 =	por !p2, p1;
	s4 =	ssub.s32 @!p1 s6, s4  }
0x41: {  	s5 =	sadd.s32 @!p1 $0xFFFFFFF9, s3;
	s1 =	simm.s32 @!p2 $0x0;
	s6 =	sadd.s32 @!p1 $0xFFFFFFA0, s4  }
0x42: {  	s3 =	ssub.s32 @!p1 $0x8, s3;
	p2 =	sgt.s32 @!p1 s5, $0x0;
	p3 =	sgt.s32 @!p1 s6, $0x1F  }
0x43: {  	s4 =	ssub.s32 @!p1 $0x80, s4;
	s5 =	sadd.s32 $0x80, s18;
	p3 =	por !p3, p1  }
0x44: {  	p4 =	por !p2, p1;
	p2 =	sgt.s32 s5, $0x103;
	s4 =	simm.s32 @!p3 $0x0  }
0x45: {  	s6 =	smov.u32 s20;
	s0 =	smul.u32 @!p1 s0, s4;
	s4 =	sadd.s32 $0x2, s20  }
0x46: {  	s3 =	simm.s32 @!p4 $0x0;
	p3 =	sgt.s32 @!p1 s7, $0x7F;
	s6 =	smov.u32 @p2 s4  }
0x47: {  	s0 =	smul.u32 @!p1 s1, s0;
	p4 =	sgt.s32 s6, $0x7;
	s1 =	simm.s32 $0x1  }
0x48: {  	s5 =	simm.s32 @p2 $0x0;
	p3 =	por !p3, p1;
	s1 =	simm.s32 @!p4 $0x0  }
0x49: {  	s2 =	simm.s32 @!p3 $0x0;
	s0 =	smul.u32 @!p1 s3, s0;
	s1 =	sadd.s32 s1, s19  }
0x4a: {  	s4 =	smov.u32 s21;
	s3 =	sadd.s32 $0x20, s21;
	p2 =	sgt.s32 s1, $0x20  }
0x4b: {  	s13 =	smov.u32 s18;
	s0 =	smul.u32 @!p1 s2, s0;
	s4 =	smov.u32 @p2 s3  }
0x4c: {  	s2 =	sadd.s32 $0x10, s22;
	s3 =	smov.u32 s22;
	p3 =	sgt.s32 s4, $0x17  }
0x4d: {  	s24 =	smov.u32 s14;
	s14 =	smov.u32 s20;
	s3 =	smov.u32 @p3 s2  }
0x4e: {  	s25 =	smov.u32 s16;
	s1 =	simm.s32 @p2 $0x0;
	p2 =	sgt.s32 s3, $0xF  }
0x4f: {  	s16 =	smov.u32 s21;
	s3 =	smov.u32 @p2 s9;
	p2 =	sne.s32 s23, s12  }
.Ltmp1:
0x50: {  	s18 =	smov.u32 s5;
	s6 =	smov.u32 @p4 s8;
	(pc) =	sbr.rel @!p2 .LBB1_21-.Ltmp1, $4  }
0x51: {  	s20 =	smov.u32 s6;
	s0 =	sand.u32 @!p1 $0x3FFFFFFF, s0;
	s2 =	simm.s32 @!p1 $0x2  }
0x52: {  	s19 =	smov.u32 s1;
	s4 =	simm.s32 @p3 $0x0;
	_ =	swait.ge @!p1 [sflag:s2], s0  }
0x53: {  	s0 =	ssub.s32 @!p1 $0x0, s0;
	s21 =	smov.u32 s4;
	[sflag:s2] =	ssyncset.done @!p1 $0x0  }
0x54: {  	s23 =	sadd.s32 $0x1, s23;
	[sflag:s2] =	ssyncadd.s32 @!p1 s0;
	s22 =	smov.u32 s3  }
.LBB1_1:
0x55: {  	p1 =	sge.u32 s23, s11  }
.Ltmp2:
0x56: {  	_ = 	snop;
	(pc) =	sbr.rel @p1 .LBB1_3-.Ltmp2, $1  }
0x57: {  	_ =	sdelay $0x3  }
0x58: {  	s0 =	sshrl.u32 s20, $0x3;
	s1 =	sshll.u32 s18, $0x3;
	s2 =	sshll.u32 s20, $0x7  }
0x59: {  	s3 =	sxor.u32 $0xFFFFFFFF, s23;
	s29 =	sand.u32 $0x7F, s18;
	p1 =	sgt.s32 s22, $0xF  }
0x5a: {  	s4 =	sshra.s32 s22, $0x1F;
	s5 =	smov.u32 s21;
	s6 =	sshra.s32 s21, $0x1F  }
0x5b: {  	p2 =	sgt.s32 s19, $0x20;
	s0 =	smul.u32 $0xC00, s0;
	s1 =	sand.u32 $0xFFFFFC00, s1  }
0x5c: {  	s10 =	sand.u32 $0x380, s2;
	s4 =	sand.u32 s4, s22;
	s30 =	sand.u32 s6, s21  }
0x5d: {  	s3 =	sshll.u32 s3, $0xC;
	s0 =	sadd.s32 s0, s1;
	s1 =	smov.u32 s22  }
0x5e: {  	s3 =	sand.u32 $0x1000, s3;
	s0 =	sor.u32 s10, s0;
	s1 =	simm.s32 @!p1 $0xF  }
0x5f: {  	p1 =	sgt.s32 s21, $0xFFFFFFF8;
	s10 =	sshra.s32 s19, $0x1F;
	s2 =	sor.u32 s29, s0  }
0x60: {  	s1 =	ssub.s32 s1, s4;
	s5 =	simm.s32 @!p1 $0xFFFFFFF8;
	s0 =	smulhi.u32 $0xAAAAAAAB, s0  }
0x61: {  	s31 =	smulhi.u32 $0xAAAAAAAB, s2;
	s7 =	sadd.s32 $0xFFFFFFF1, s1;
	s4 =	ssub.s32 s5, s30  }
0x62: {  	s1 =	ssub.s32 $0x10, s1;
	s30 =	sshra.s32 s20, $0x1F;
	p1 =	sgt.s32 s7, $0x0  }
0x63: {  	s5 =	sadd.s32 $0x8, s4;
	s7 =	smov.u32 s19;
	s4 =	ssub.s32 $0x18, s4  }
0x64: {  	s0 =	sshrl.u32 s0, $0x8;
	s7 =	simm.s32 @!p2 $0x20;
	p2 =	sgt.s32 s5, $0x1F  }
0x65: {  	s5 =	sand.u32 s10, s19;
	s1 =	simm.s32 @p1 $0x0;
	s6 =	sshrl.u32 s31, $0x8  }
0x66: {  	s31 =	sshra.s32 s18, $0x1F;
	s0 =	sand.u32 $0x7, s0;
	s4 =	simm.s32 @p2 $0x0  }
0x67: {  	s5 =	ssub.s32 s7, s5;
	p2 =	sgt.s32 s20, $0x7;
	s6 =	smul.u32 $0x180, s6  }
0x68: {  	s7 =	sand.u32 s30, s20;
	s1 =	smul.u32 s1, s4;
	s4 =	smov.u32 s20  }
0x69: {  	s30 =	smul.u32 $0x3180, s21;
	s29 =	sadd.s32 $0xFFFFFFE0, s5;
	s4 =	simm.s32 @!p2 $0x7  }
0x6a: {  	s5 =	ssub.s32 $0x21, s5;
	p1 =	sgt.s32 s29, $0x0;
	s4 =	ssub.s32 s4, s7  }
0x6b: {  	s0 =	smul.u32 $0x30, s0;
	s5 =	simm.s32 @p1 $0x0;
	s7 =	sadd.s32 $0xFFFFFFF9, s4  }
0x6c: {  	s1 =	smul.u32 s5, s1;
	s4 =	ssub.s32 $0x8, s4;
	p1 =	sgt.s32 s7, $0x0  }
0x6d: {  	s5 =	smov.u32 s18;
	s4 =	simm.s32 @p1 $0x0;
	p1 =	sgt.s32 s18, $0x100  }
0x6e: {  	s29 =	smul.u32 $0x4A400, s22;
	s7 =	sand.u32 s31, s18;
	s5 =	simm.s32 @!p1 $0x100  }
0x6f: {  	s2 =	ssub.s32 s2, s6;
	s1 =	smul.u32 s4, s1;
	s10 =	ssub.s32 s5, s7  }
0x70: {  	s5 =	sadd.s32 $0xFFFFFF00, s10;
	s4 =	ssub.s32 $0x180, s10;
	s10 =	rddreg [dreg:$0x3]  }
0x71: {  	s31 =	smul.u32 $0x180, s19;
	p1 =	sgt.s32 s5, $0x7F;
	s6 =	sadd.s32 s10, s29  }
0x72: {  	s10 =	sand.u32 $0x7, s2;
	s4 =	simm.s32 @p1 $0x0;
	s5 =	sadd.s32 s30, s6  }
0x73: {  	s29 =	sshll.u32 s10, $0x12;
	s1 =	smul.u32 s4, s1;
	s7 =	sadd.s32 s31, s5  }
0x74: {  	s2 =	sshrl.u32 s2, $0x3;
	s30 =	sor.u32 $0x80, s29;
	s0 =	sadd.s32 s0, s7  }
0x75: {  	s31 =	simm.s32 $0x18C00;
	s1 =	sand.u32 $0x3FFFFFFF, s1;
	s0 =	sadd.s32 s2, s0  }
0x76: {  	[tilespmem:s3], [sflag:$0x1] =	stream.strided.gather [hbm4b:s0+s30], s1, s31, s30, $0x38;
	[tilespmem:$0x4100] =	vst v63  }
.LBB1_3:
0x77: {  	s0 =	sadd.s32 $0xFFFFFFFF, s23  }
0x78: {  	p1 =	sge.u32 s0, s11  }
.Ltmp3:
0x79: {  	_ = 	snop;
	(pc) =	sbr.rel @p1 .LBB1_20-.Ltmp3, $1  }
0x7a: {  	_ =	sdelay $0x3  }
0x7b: {  	[dreg:$0x16] =	wrdreg s28  }
0x7c: {  	[dreg:$0x15] =	wrdreg s27  }
0x7d: {  	[dreg:$0x14] =	wrdreg s26  }
0x7e: {  	[dreg:$0x13] =	wrdreg s25  }
0x7f: {  	[dreg:$0x12] =	wrdreg s24  }
0x80: {  	[dreg:$0x10] =	wrdreg s22  }
0x81: {  	[dreg:$0xf] =	wrdreg s21  }
0x82: {  	[dreg:$0xe] =	wrdreg s20  }
0x83: {  	[dreg:$0xd] =	wrdreg s19  }
0x84: {  	[dreg:$0xc] =	wrdreg s18;
	p1 =	sgt.s32 s17, $0xF;
	s0 =	smov.u32 s17  }
0x85: {  	s1 =	sshra.s32 s17, $0x1F;
	s12 =	ssub.s32 $0x0, s16;
	s2 =	sshra.s32 s16, $0x1F  }
0x86: {  	p2 =	sgt.s32 s16, $0xFFFFFFF8;
	s3 =	smov.u32 s16;
	s20 =	sshra.s32 s15, $0x1F  }
0x87: {  	s22 =	sshra.s32 s14, $0x1F;
	s25 =	ssub.s32 $0x0, s13;
	[dreg:$0x7] =	wrdreg s13  }
0x88: {  	s26 =	sshra.s32 s13, $0x1F;
	s5 =	smov.u32 s13;
	[dreg:$0xb] =	wrdreg s17  }
0x89: {  	[dreg:$0xa] =	wrdreg s16;
	s0 =	simm.s32 @!p1 $0xF;
	s1 =	sand.u32 s1, s17  }
0x8a: {  	s18 =	sand.u32 s12, s2;
	s3 =	simm.s32 @!p2 $0xFFFFFFF8;
	p2 =	sgt.s32 s15, $0x20  }
0x8b: {  	s2 =	smov.u32 s15;
	s21 =	sand.u32 s20, s15;
	s0 =	ssub.s32 s0, s1  }
0x8c: {  	s2 =	simm.s32 @!p2 $0x20;
	p2 =	sgt.s32 s14, $0x7;
	s1 =	sadd.s32 $0xFFFFFFF1, s0  }
0x8d: {  	s6 =	ssub.s32 $0x10, s0;
	s0 =	sadd.s32 s18, s3;
	s3 =	sand.u32 s22, s14  }
0x8e: {  	p1 =	sgt.s32 s1, $0x0;
	s19 =	sadd.s32 $0x8, s0;
	s1 =	ssub.s32 s2, s21  }
0x8f: {  	s2 =	smov.u32 s14;
	s0 =	ssub.s32 $0x18, s0;
	s6 =	simm.s32 @p1 $0x0  }
0x90: {  	p1 =	sgt.s32 s19, $0x1F;
	s4 =	sadd.s32 $0xFFFFFFE0, s1;
	s2 =	simm.s32 @!p2 $0x7  }
0x91: {  	s7 =	ssub.s32 $0x21, s1;
	p2 =	sgt.s32 s4, $0x0;
	s24 =	ssub.s32 s2, s3  }
0x92: {  	s4 =	sand.u32 s25, s26;
	s0 =	simm.s32 @p1 $0x0;
	s3 =	sadd.s32 $0x20, s16  }
0x93: {  	s7 =	simm.s32 @p2 $0x0;
	s2 =	sadd.s32 $0xFFFFFFF9, s24;
	p2 =	sgt.s32 s13, $0x100  }
0x94: {  	[dreg:$0x1a] =	wrdreg s4;
	s5 =	simm.s32 @!p2 $0x100;
	s27 =	smul.u32 s6, s7  }
0x95: {  	p1 =	sgt.s32 s2, $0x0;
	s2 =	sadd.s32 $0x1, s17;
	s28 =	sadd.s32 s4, s5  }
0x96: {  	s4 =	ssub.s32 $0x8, s24;
	s29 =	sadd.s32 $0xFFFFFF00, s28;
	s0 =	smul.u32 s0, s27  }
0x97: {  	s4 =	simm.s32 @p1 $0x0;
	s1 =	ssub.s32 $0x180, s28;
	p1 =	sgt.s32 s29, $0x7F  }
0x98: {  	s0 =	smul.u32 s4, s0;
	s1 =	simm.s32 @p1 $0x0;
	p1 =	slt.s32 s2, $0x10  }
0x99: {  	[dreg:$0x9] =	wrdreg s15;
	s2 =	simm.s32 @!p1 $0x10;
	p1 =	slt.s32 s3, $0x18  }
0x9a: {  	[dreg:$0x8] =	wrdreg s14;
	s0 =	smul.u32 s1, s0;
	s3 =	simm.s32 @!p1 $0x18  }
0x9b: {  	s2 =	ssub.s32 s2, s17;
	s1 =	sadd.s32 $0x1, s15;
	s3 =	ssub.s32 s3, s16  }
0x9c: {  	p2 =	slt.s32 s1, $0x21;
	[dreg:$0x1c] =	wrdreg s2;
	p1 =	slt.s32 s2, $0x1  }
0x9d: {  	s2 =	sadd.s32 $0x1, s14;
	s1 =	simm.s32 @!p2 $0x21;
	p2 =	slt.s32 @!p1 s3, $0x1  }
0x9e: {  	p3 =	slt.s32 s2, $0x8;
	s1 =	ssub.s32 s1, s15;
	p2 =	por p1, p2  }
0x9f: {  	[dreg:$0x18] =	wrdreg s18;
	s2 =	simm.s32 @!p3 $0x8;
	p3 =	slt.s32 @!p2 s1, $0x1  }
0xa0: {  	[dreg:$0x17] =	wrdreg s6;
	s8 =	ssub.s32 s2, s14;
	p2 =	por p2, p3  }
0xa1: {  	[dreg:$0x19] =	wrdreg s7;
	p3 =	slt.s32 @!p2 s8, $0x1  }
0xa2: {  	[dreg:$0x1b] =	wrdreg s4;
	p2 =	por p2, p3  }
.Ltmp4:
0xa3: {  	[dreg:$0x1e] =	wrdreg s3;
	(pc) =	sbr.rel @p2 .LBB1_19-.Ltmp4, $4  }
0xa4: {  	s30 =	simm.s32 $0x1;
	s0 =	sand.u32 $0x3FFFFFFF, s0;
	[dreg:$0x1f] =	wrdreg s1  }
0xa5: {  	s31 =	sand.u32 $0x1, s23;
	_ =	swait.ge [sflag:s30], s0  }
0xa6: {  	s0 =	ssub.s32 $0x0, s0;
	[dreg:$0x11] =	wrdreg s23;
	[sflag:s30] =	ssyncset.done $0x0  }
0xa7: {  	[dreg:$0x1d] =	wrdreg s31;
	[sflag:s30] =	ssyncadd.s32 s0  }
0xa8: {  	s0 =	simm.s32 $0x1  }
0xa9: {  	s0 =	simm.s32 @!p0 $0x0  }
0xaa: {  	s0 =	smul.u32 $0x4200, s0;
	_ =	sdelay $0x1  }
0xab: {  	s3 =	rddreg [dreg:$0x7];
	s2 =	sshrl.u32 s0, $0x2  }
0xac: {  	[smem:$0x7FD] =	sst s8;
	s4 =	sadd.s32 $0x3EF0, s2  }
0xad: {  	s17 =	sadd.s32 $0x3CE0, s2;
	[smem:$0x7EB] =	sst s4  }
0xae: {  	s18 =	sadd.s32 $0x3AD0, s2;
	[smem:$0x7EC] =	sst s17  }
0xaf: {  	s19 =	sadd.s32 $0x38C0, s2;
	[smem:$0x7ED] =	sst s18  }
0xb0: {  	s20 =	sadd.s32 $0x36B0, s2;
	[smem:$0x7EE] =	sst s19  }
0xb1: {  	s21 =	sadd.s32 $0x34A0, s2;
	[smem:$0x7EF] =	sst s20  }
0xb2: {  	s22 =	sadd.s32 $0x3290, s2;
	[smem:$0x7F0] =	sst s21  }
0xb3: {  	s23 =	sadd.s32 $0x3080, s2;
	[smem:$0x7F1] =	sst s22  }
0xb4: {  	s25 =	sadd.s32 $0x2E70, s2;
	[smem:$0x7F2] =	sst s23  }
0xb5: {  	s1 =	sadd.s32 $0x80, s3;
	s26 =	sadd.s32 $0x2C60, s2;
	[smem:$0x7F3] =	sst s25  }
0xb6: {  	p2 =	slt.s32 s1, $0x104;
	s27 =	sadd.s32 $0x2A50, s2;
	[smem:$0x7F4] =	sst s26  }
0xb7: {  	s1 =	simm.s32 @!p2 $0x104;
	s28 =	sadd.s32 $0x2840, s2;
	[smem:$0x7F5] =	sst s27  }
0xb8: {  	s1 =	ssub.s32 s1, s3;
	s29 =	sadd.s32 $0x2630, s2;
	[smem:$0x7F6] =	sst s28  }
0xb9: {  	s1 =	sadd.s32 $0xF, s1;
	s30 =	sadd.s32 $0x2420, s2;
	[smem:$0x7F7] =	sst s29  }
0xba: {  	s31 =	sadd.s32 $0x2210, s2;
	s24 =	sshrl.u32 s1, $0x8;
	[smem:$0x7F8] =	sst s30  }
0xbb: {  	s2 =	sor.u32 $0x2000, s2;
	[smem:$0x7F9] =	sst s31;
	s3 =	smul.u32 $0x8400, s24  }
.Ltmp5:
0xbc: {  	[smem:$0x7FA] =	sst s2;
	(pc) =	sbr.rel .LBB1_6-.Ltmp5, $4  }
0xbd: {  	s23 =	sand.u32 $0xFFFFFFF0, s1;
	s2 =	rddreg [dreg:$0x1d];
	s0 =	sadd.s32 s0, s3  }
0xbe: {  	s14 =	sand.u32 @!p1 $0xFFFFFF00, s1;
	s2 =	sshll.u32 @!p1 s2, $0xC;
	s0 =	sshra.s32 s0, $0x2  }
0xbf: {  	p1 =	slt.s32 s1, $0x100;
	[smem:$0x7FB] =	sst s2;
	s0 =	sadd.s32 $0x2000, s0  }
0xc0: {  	p2 =	sge.s32 s14, s23;
	s2 =	simm.s32 $0x0;
	[smem:$0x7FC] =	sst s0  }
.LBB1_18:
0xc1: {  	s2 =	sld [smem:$0x7E8]  }
0xc2: {  	s0 =	sld [smem:$0x7EB]  }
0xc3: {  	s13 =	sld [smem:$0x7EC]  }
0xc4: {  	s15 =	sld [smem:$0x7ED]  }
0xc5: {  	s16 =	sld [smem:$0x7EE]  }
0xc6: {  	s17 =	sld [smem:$0x7EF]  }
0xc7: {  	s18 =	sld [smem:$0x7F0]  }
0xc8: {  	s19 =	sld [smem:$0x7F1]  }
0xc9: {  	s20 =	sld [smem:$0x7F2]  }
0xca: {  	s21 =	sld [smem:$0x7F3]  }
0xcb: {  	s22 =	sld [smem:$0x7F4]  }
0xcc: {  	s24 =	sld [smem:$0x7F5]  }
0xcd: {  	s25 =	sld [smem:$0x7F6]  }
0xce: {  	s26 =	sld [smem:$0x7F7]  }
0xcf: {  	s27 =	sld [smem:$0x7F8]  }
0xd0: {  	s28 =	rddreg [dreg:$0x1c]  }
0xd1: {  	s29 =	sld [smem:$0x7F9]  }
0xd2: {  	s30 =	sld [smem:$0x7FA]  }
0xd3: {  	s31 =	sld [smem:$0x7FC];
	s0 =	sadd.s32 $0x1080, s0  }
0xd4: {  	[smem:$0x7EB] =	sst s0;
	s0 =	sadd.s32 $0x1080, s13  }
0xd5: {  	[smem:$0x7EC] =	sst s0;
	s0 =	sadd.s32 $0x1080, s15  }
0xd6: {  	[smem:$0x7ED] =	sst s0;
	s0 =	sadd.s32 $0x1080, s16  }
0xd7: {  	[smem:$0x7EE] =	sst s0;
	s0 =	sadd.s32 $0x1080, s17  }
0xd8: {  	[smem:$0x7EF] =	sst s0;
	s0 =	sadd.s32 $0x1080, s18  }
0xd9: {  	[smem:$0x7F0] =	sst s0;
	s0 =	sadd.s32 $0x1080, s19  }
0xda: {  	[smem:$0x7F1] =	sst s0;
	s0 =	sadd.s32 $0x1080, s20  }
0xdb: {  	[smem:$0x7F2] =	sst s0;
	s0 =	sadd.s32 $0x1080, s21  }
0xdc: {  	[smem:$0x7F3] =	sst s0;
	s0 =	sadd.s32 $0x1080, s22  }
0xdd: {  	[smem:$0x7F4] =	sst s0;
	s0 =	sadd.s32 $0x1080, s24  }
0xde: {  	s2 =	sadd.s32 $0x1, s2;
	[smem:$0x7F5] =	sst s0;
	s0 =	sadd.s32 $0x1080, s25  }
0xdf: {  	p3 =	sne.s32 s2, s28;
	[smem:$0x7F6] =	sst s0;
	s0 =	sadd.s32 $0x1080, s26  }
.Ltmp6:
0xe0: {  	[smem:$0x7F7] =	sst s0;
	s0 =	sadd.s32 $0x1080, s27;
	(pc) =	sbr.rel @!p3 .LBB1_19-.Ltmp6, $4  }
0xe1: {  	[smem:$0x7F8] =	sst s0;
	s0 =	sadd.s32 $0x1080, s29  }
0xe2: {  	[smem:$0x7F9] =	sst s0;
	s0 =	sadd.s32 $0x1080, s30  }
0xe3: {  	[smem:$0x7FA] =	sst s0;
	s0 =	sadd.s32 $0x1080, s31  }
0xe4: {  	[smem:$0x7FC] =	sst s0  }
.LBB1_6:
.Ltmp7:
0xe5: {  	s1 =	sld [smem:$0x7FB];
	(pc) =	sbr.rel .LBB1_7-.Ltmp7, $4  }
0xe6: {  	s0 =	sshll.u32 s2, $0xE  }
0xe7: {  	[smem:$0x7E8] =	sst s2;
	s31 =	simm.s32 $0x0;
	s0 =	sshra.s32 s0, $0x2  }
0xe8: {  	[smem:$0x7EA] =	sst s31;
	s0 =	sadd.s32 s0, s1  }
0xe9: {  	[smem:$0x7E9] =	sst s0;
	s0 =	simm.s32 $0x0  }
.LBB1_17:
0xea: {  	s1 =	sld [smem:$0x7EA];
	_ =	sdelay $0x2  }
0xeb: {  	s0 =	rddreg [dreg:$0x1e];
	s1 =	sadd.s32 $0x1, s1  }
0xec: {  	p3 =	sne.s32 s1, s0  }
.Ltmp8:
0xed: {  	_ = 	snop;
	(pc) =	sbr.rel @!p3 .LBB1_18-.Ltmp8, $2  }
0xee: {  	s31 =	sld [smem:$0x7E4];
	_ =	sdelay $0x2  }
0xef: {  	[smem:$0x7EA] =	sst s1;
	s0 =	sadd.s32 $0x1, s31  }
.LBB1_7:
0xf0: {  	[smem:$0x7E4] =	sst s0  }
0xf1: {  	s2 =	sld [smem:$0x7FC]  }
0xf2: {  	s3 =	sld [smem:$0x7EB]  }
0xf3: {  	s4 =	sld [smem:$0x7EC]  }
0xf4: {  	s5 =	sld [smem:$0x7ED]  }
0xf5: {  	s6 =	sld [smem:$0x7EE]  }
0xf6: {  	s7 =	sld [smem:$0x7EF]  }
0xf7: {  	s11 =	sld [smem:$0x7F0]  }
0xf8: {  	s12 =	sld [smem:$0x7F1]  }
0xf9: {  	s17 =	sld [smem:$0x7F2]  }
0xfa: {  	s18 =	sld [smem:$0x7F3]  }
0xfb: {  	s19 =	sld [smem:$0x7F4]  }
0xfc: {  	s21 =	sld [smem:$0x7F5]  }
0xfd: {  	s22 =	sld [smem:$0x7F6]  }
0xfe: {  	s24 =	sld [smem:$0x7F7]  }
0xff: {  	s26 =	sld [smem:$0x7F8]  }
0x100: {  	s1 =	sand.u32 $0x7F, s0;
	s29 =	sld [smem:$0x7F9]  }
0x101: {  	s30 =	sld [smem:$0x7FA];
	s0 =	sadd.s32 s1, s2  }
0x102: {  	s9 =	sadd.s32 s1, s3;
	s10 =	sadd.s32 s1, s4;
	s13 =	sadd.s32 s1, s5  }
0x103: {  	s15 =	sadd.s32 s1, s6;
	s16 =	sadd.s32 s1, s7;
	s20 =	sadd.s32 s1, s11  }
.Ltmp9:
0x104: {  	s25 =	sadd.s32 s1, s12;
	s27 =	sadd.s32 s1, s17;
	(pc) =	sbr.rel .LBB1_8-.Ltmp9, $4  }
0x105: {  	s6 =	sadd.s32 s1, s18;
	s7 =	sadd.s32 s1, s21;
	s17 =	sadd.s32 s1, s24  }
0x106: {  	s28 =	sadd.s32 s1, s26;
	[smem:$0x7E5] =	sst s0;
	s0 =	sadd.s32 s1, s19  }
0x107: {  	s31 =	sadd.s32 s1, s29;
	[smem:$0x7E6] =	sst s0;
	s0 =	sadd.s32 s1, s22  }
0x108: {  	s18 =	sadd.s32 s1, s30;
	s2 =	simm.s32 $0x0;
	[smem:$0x7E7] =	sst s0  }
.LBB1_16:
0x109: {  	s2 =	sld [smem:$0x7D9]  }
0x10a: {  	s9 =	sadd.s32 $0x21, s9;
	s10 =	sadd.s32 $0x21, s10;
	s13 =	sadd.s32 $0x21, s13  }
0x10b: {  	s15 =	sadd.s32 $0x21, s15;
	s16 =	sadd.s32 $0x21, s16;
	s0 =	sld [smem:$0x7E6]  }
0x10c: {  	s20 =	sadd.s32 $0x21, s20;
	s1 =	rddreg [dreg:$0x1f];
	s2 =	sadd.s32 $0x1, s2  }
0x10d: {  	s25 =	sadd.s32 $0x21, s25;
	s29 =	sld [smem:$0x7E7];
	p3 =	sne.s32 s2, s1  }
.Ltmp10:
0x10e: {  	s27 =	sadd.s32 $0x21, s27;
	s30 =	sld [smem:$0x7E5];
	(pc) =	sbr.rel @!p3 .LBB1_17-.Ltmp10, $4  }
0x10f: {  	s6 =	sadd.s32 $0x21, s6;
	s7 =	sadd.s32 $0x21, s7;
	s0 =	sadd.s32 $0x21, s0  }
0x110: {  	s17 =	sadd.s32 $0x21, s17;
	[smem:$0x7E6] =	sst s0;
	s0 =	sadd.s32 $0x21, s29  }
0x111: {  	s28 =	sadd.s32 $0x21, s28;
	[smem:$0x7E7] =	sst s0;
	s0 =	sadd.s32 $0x21, s30  }
0x112: {  	s31 =	sadd.s32 $0x21, s31;
	s18 =	sadd.s32 $0x21, s18;
	[smem:$0x7E5] =	sst s0  }
.LBB1_8:
0x113: {  	s0 =	sld [smem:$0x7EA]  }
0x114: {  	[smem:$0x7D9] =	sst s2  }
0x115: {  	s29 =	sld [smem:$0x7E9]  }
0x116: {  	[smem:$0x7DA] =	sst s6  }
0x117: {  	[smem:$0x7DB] =	sst s7  }
0x118: {  	[smem:$0x7DC] =	sst s9  }
0x119: {  	[smem:$0x7DD] =	sst s10  }
0x11a: {  	[smem:$0x7DE] =	sst s13  }
.Ltmp11:
0x11b: {  	[smem:$0x7DF] =	sst s15;
	s1 =	sadd.s32 s0, s2;
	(pc) =	sbr.rel .LBB1_9-.Ltmp11, $4  }
0x11c: {  	[smem:$0x7E0] =	sst s16;
	s1 =	sshll.u32 s1, $0x9  }
0x11d: {  	[smem:$0x7E1] =	sst s20;
	s1 =	sshra.s32 s1, $0x2  }
0x11e: {  	[smem:$0x7E2] =	sst s25;
	s19 =	sadd.s32 s1, s29  }
0x11f: {  	s30 =	simm.s32 $0x0;
	s21 =	simm.s32 $0x0;
	[smem:$0x7E3] =	sst s19  }
.LBB1_15:
0x120: {  	s21 =	sadd.s32 $0x1, s21  }
0x121: {  	p3 =	sne.s32 s21, s8  }
.Ltmp12:
0x122: {  	_ = 	snop;
	(pc) =	sbr.rel @!p3 .LBB1_16-.Ltmp12, $2  }
0x123: {  	_ =	sdelay $0x2  }
0x124: {  	s30 =	sadd.s32 $0x1, s30  }
.LBB1_9:
.Ltmp13:
0x125: {  	(pc) =	sbr.rel @p1 .LBB1_12-.Ltmp13, $4  }
0x126: {  	s1 =	sand.u32 $0x7, s30  }
0x127: {  	s1 =	smul.u32 $0x84, s1  }
0x128: {  	s2 =	sshll.u32 s21, $0x7  }
0x129: {  	s11 =	sand.u32 $0x380, s2;
	s22 =	sshrl.u32 s1, $0x2  }
0x12a: {  	s12 =	sadd.s32 s11, s19  }
0x12b: {  	v5 =	vld [tilespmem:s12+$0x70]  }
0x12c: {  	v6 =	vld [tilespmem:s12+$0x60]  }
0x12d: {  	v7 =	vld [tilespmem:s12+$0x50]  }
0x12e: {  	v0 =	vld [tilespmem:s12+$0x40]  }
0x12f: {  	s1 =	sadd.s32 s22, s9;
	v1 =	vld [tilespmem:s12+$0x30]  }
0x130: {  	s2 =	sadd.s32 s22, s10;
	v2 =	vld [tilespmem:s12+$0x20];
	[tilespmem:s1+$0x0 ss:$0x21] =	vst.msk $0xffff, v5  }
0x131: {  	s26 =	sadd.s32 s22, s13;
	v3 =	vld [tilespmem:s12+$0x10];
	[tilespmem:s2+$0x0 ss:$0x21] =	vst.msk $0xffff, v6  }
0x132: {  	s29 =	sadd.s32 s22, s15;
	v4 =	vld [tilespmem:s12+$0x0];
	[tilespmem:s26+$0x0 ss:$0x21] =	vst.msk $0xffff, v7  }
0x133: {  	s0 =	sadd.s32 s22, s16;
	[tilespmem:s29+$0x0 ss:$0x21] =	vst.msk $0xffff, v0  }
0x134: {  	s3 =	sadd.s32 s22, s20;
	[tilespmem:s0+$0x0 ss:$0x21] =	vst.msk $0xffff, v1  }
0x135: {  	s4 =	sadd.s32 s22, s25;
	p4 =	sgt.s32 s14, $0x100;
	[tilespmem:s3+$0x0 ss:$0x21] =	vst.msk $0xffff, v2  }
.Ltmp14:
0x136: {  	s5 =	sadd.s32 s22, s27;
	[tilespmem:s4+$0x0 ss:$0x21] =	vst.msk $0xffff, v3;
	(pc) =	sbr.rel @!p4 .LBB1_11-.Ltmp14, $4  }
0x137: {  	s24 =	sadd.s32 s22, s18;
	[tilespmem:s5+$0x0 ss:$0x21] =	vst.msk $0xffff, v4  }
0x138: {  	[tilespmem:s24+$0x0 ss:$0x21] =	vst.msk $0xffff, v4;
	s26 =	sadd.s32 s22, s31  }
0x139: {  	s29 =	sadd.s32 s22, s28;
	[tilespmem:s26+$0x0 ss:$0x21] =	vst.msk $0xffff, v3  }
0x13a: {  	p3 =	por $0x0, $0x0;
	s5 =	sadd.s32 s22, s17;
	[tilespmem:s29+$0x0 ss:$0x21] =	vst.msk $0xffff, v2  }
0x13b: {  	[tilespmem:s5+$0x0 ss:$0x21] =	vst.msk $0xffff, v1  }
0x13c: {  	s5 =	smov.u32 s17;
	s17 =	sld [smem:$0x7E7]  }
0x13d: {  	v2 =	vld [tilespmem:s12+$0x70]  }
0x13e: {  	v4 =	vld [tilespmem:s12+$0x60];
	s24 =	sadd.s32 s22, s7  }
0x13f: {  	v3 =	vld [tilespmem:s12+$0x50];
	[tilespmem:s24+$0x0 ss:$0x21] =	vst.msk $0xffff, v7;
	s1 =	sadd.s32 s22, s17  }
0x140: {  	s0 =	sadd.s32 s22, s6;
	v1 =	vld [tilespmem:s12+$0x30];
	s24 =	sadd.s32 $0x2100, s9;
	[tilespmem:s1+$0x0 ss:$0x21] =	vst.msk $0xffff, v0  }
0x141: {  	s10 =	sadd.s32 $0x2100, s10;
	s2 =	sadd.s32 s22, s24;
	s4 =	sld [smem:$0x7E6];
	[tilespmem:s0+$0x0 ss:$0x21] =	vst.msk $0xffff, v5  }
0x142: {  	s3 =	sadd.s32 s22, s10;
	s9 =	sadd.s32 $0x2100, s13;
	v0 =	vld [tilespmem:s12+$0x40];
	[tilespmem:s2+$0x0 ss:$0x21] =	vst.msk $0xffff, v2  }
0x143: {  	s8 =	sadd.s32 s22, s9;
	v5 =	vld [tilespmem:s12+$0x20];
	[tilespmem:s3+$0x0 ss:$0x21] =	vst.msk $0xffff, v4;
	s0 =	smov.u32 s18;
	s18 =	sadd.s32 $0x2100, s16  }
0x144: {  	v7 =	vld [tilespmem:s12+$0x0];
	[tilespmem:s8+$0x0 ss:$0x21] =	vst.msk $0xffff, v3;
	s19 =	sadd.s32 s22, s18  }
0x145: {  	s15 =	sadd.s32 $0x2100, s15;
	s29 =	smov.u32 s27;
	[tilespmem:s19+$0x0 ss:$0x21] =	vst.msk $0xffff, v1;
	s26 =	sadd.s32 s22, s4  }
0x146: {  	p4 =	sgt.s32 s14, $0x200;
	s13 =	sadd.s32 s22, s15;
	[tilespmem:s26+$0x0 ss:$0x21] =	vst.msk $0xffff, v6;
	v6 =	vld [tilespmem:s12+$0x10];
	s26 =	sadd.s32 $0x2100, s20  }
0x147: {  	p3 =	por $0x1, $0x1;
	[tilespmem:s13+$0x0 ss:$0x21] =	vst.msk $0xffff, v0;
	s13 =	sadd.s32 $0x2100, s27;
	s20 =	sadd.s32 s22, s26  }
0x148: {  	s2 =	sadd.s32 $0x2100, s25;
	s25 =	sadd.s32 s22, s13;
	[tilespmem:s20+$0x0 ss:$0x21] =	vst.msk $0xffff, v5;
	s20 =	sadd.s32 $0x2100, s0  }
.Ltmp15:
0x149: {  	s1 =	sadd.s32 $0x2100, s17;
	[tilespmem:s25+$0x0 ss:$0x21] =	vst.msk $0xffff, v7;
	s27 =	sadd.s32 s22, s20;
	(pc) =	sbr.rel @!p4 .LBB1_23-.Ltmp15, $4  }
0x14a: {  	s16 =	sadd.s32 $0x2100, s31;
	s8 =	sadd.s32 $0x2100, s28;
	s3 =	sadd.s32 s22, s2;
	[tilespmem:s27+$0x0 ss:$0x21] =	vst.msk $0xffff, v7  }
0x14b: {  	s19 =	smov.u32 s0;
	s0 =	smov.u32 s31;
	[tilespmem:s3+$0x0 ss:$0x21] =	vst.msk $0xffff, v6;
	s3 =	sadd.s32 s22, s16  }
0x14c: {  	s25 =	simm.s32 $0x200;
	s27 =	sadd.s32 s22, s8;
	[tilespmem:s3+$0x0 ss:$0x21] =	vst.msk $0xffff, v6;
	s3 =	sadd.s32 $0x2100, s5  }
0x14d: {  	s31 =	smov.u32 s28;
	s28 =	smov.u32 s5;
	[tilespmem:s27+$0x0 ss:$0x21] =	vst.msk $0xffff, v5;
	s5 =	sadd.s32 s22, s3  }
.LBB1_24:
0x14e: {  	v5 =	vld [tilespmem:s12+$0x70];
	[tilespmem:s5+$0x0 ss:$0x21] =	vst.msk $0xffff, v1;
	s5 =	sadd.s32 s22, s1;
	s7 =	sadd.s32 $0x2100, s7  }
0x14f: {  	s4 =	sadd.s32 $0x2100, s4;
	v6 =	vld [tilespmem:s12+$0x60];
	[tilespmem:s5+$0x0 ss:$0x21] =	vst.msk $0xffff, v0;
	s5 =	sadd.s32 s22, s7  }
0x150: {  	s6 =	sadd.s32 $0x2100, s6;
	[tilespmem:s5+$0x0 ss:$0x21] =	vst.msk $0xffff, v3;
	v3 =	vld [tilespmem:s12+$0x50];
	s5 =	sadd.s32 s22, s4  }
0x151: {  	s24 =	sadd.s32 $0x2100, s24;
	v0 =	vld [tilespmem:s12+$0x40];
	[tilespmem:s5+$0x0 ss:$0x21] =	vst.msk $0xffff, v4;
	s5 =	sadd.s32 s22, s6  }
0x152: {  	s10 =	sadd.s32 $0x2100, s10;
	s27 =	sadd.s32 s22, s24;
	v1 =	vld [tilespmem:s12+$0x30];
	[tilespmem:s5+$0x0 ss:$0x21] =	vst.msk $0xffff, v2  }
0x153: {  	s9 =	sadd.s32 $0x2100, s9;
	s5 =	sadd.s32 s22, s10;
	v7 =	vld [tilespmem:s12+$0x20];
	[tilespmem:s27+$0x0 ss:$0x21] =	vst.msk $0xffff, v5;
	v2 =	vmov v5  }
0x154: {  	s15 =	sadd.s32 $0x2100, s15;
	s27 =	sadd.s32 s22, s9;
	v5 =	vld [tilespmem:s12+$0x10];
	[tilespmem:s5+$0x0 ss:$0x21] =	vst.msk $0xffff, v6;
	v4 =	vmov v6  }
0x155: {  	s25 =	sadd.s32 $0x100, s25;
	s18 =	sadd.s32 $0x2100, s18;
	s5 =	sadd.s32 s22, s15;
	v6 =	vld [tilespmem:s12+$0x0];
	[tilespmem:s27+$0x0 ss:$0x21] =	vst.msk $0xffff, v3  }
0x156: {  	s26 =	sadd.s32 $0x2100, s26;
	p4 =	slt.s32 s25, s14;
	s27 =	sadd.s32 s22, s18;
	[tilespmem:s5+$0x0 ss:$0x21] =	vst.msk $0xffff, v0  }
0x157: {  	s2 =	sadd.s32 $0x2100, s2;
	s5 =	sadd.s32 s22, s26;
	[tilespmem:s27+$0x0 ss:$0x21] =	vst.msk $0xffff, v1  }
0x158: {  	s13 =	sadd.s32 $0x2100, s13;
	s27 =	sadd.s32 s22, s2;
	[tilespmem:s5+$0x0 ss:$0x21] =	vst.msk $0xffff, v7  }
.Ltmp16:
0x159: {  	s20 =	sadd.s32 $0x2100, s20;
	s5 =	sadd.s32 s22, s13;
	[tilespmem:s27+$0x0 ss:$0x21] =	vst.msk $0xffff, v5;
	(pc) =	sbr.rel @p4 .LBB1_24-.Ltmp16, $4  }
0x15a: {  	s16 =	sadd.s32 $0x2100, s16;
	s27 =	sadd.s32 s22, s20;
	[tilespmem:s5+$0x0 ss:$0x21] =	vst.msk $0xffff, v6  }
0x15b: {  	s8 =	sadd.s32 $0x2100, s8;
	s5 =	sadd.s32 s22, s16;
	[tilespmem:s27+$0x0 ss:$0x21] =	vst.msk $0xffff, v6  }
0x15c: {  	s3 =	sadd.s32 $0x2100, s3;
	[tilespmem:s5+$0x0 ss:$0x21] =	vst.msk $0xffff, v5;
	s5 =	sadd.s32 s22, s8  }
0x15d: {  	s1 =	sadd.s32 $0x2100, s1;
	[tilespmem:s5+$0x0 ss:$0x21] =	vst.msk $0xffff, v7;
	s5 =	sadd.s32 s22, s3  }
0x15e: {  	s8 =	sld [smem:$0x7FD]  }
0x15f: {  	s9 =	sld [smem:$0x7DC]  }
0x160: {  	s10 =	sld [smem:$0x7DD]  }
0x161: {  	s13 =	sld [smem:$0x7DE]  }
0x162: {  	s15 =	sld [smem:$0x7DF]  }
0x163: {  	s16 =	sld [smem:$0x7E0]  }
0x164: {  	s20 =	sld [smem:$0x7E1]  }
0x165: {  	s25 =	sld [smem:$0x7E2]  }
0x166: {  	s27 =	smov.u32 s29;
	s17 =	smov.u32 s28;
	s28 =	smov.u32 s31  }
0x167: {  	v7 =	vmov v3;
	v6 =	vmov v4;
	v5 =	vmov v2;
	s31 =	smov.u32 s0;
	s18 =	smov.u32 s19;
	s19 =	sld [smem:$0x7E3]  }
.LBB1_26:
0x168: {  	s2 =	sadd.s32 @p3 $0x2100, s7;
	s7 =	sld [smem:$0x7DB];
	_ =	sdelay $0x2  }
0x169: {  	[tilespmem:s5+$0x0 ss:$0x21] =	vst.msk $0xffff, v1;
	s3 =	smov.u32 s7  }
0x16a: {  	s3 =	smov.u32 @p3 s2;
	s2 =	sadd.s32 @p3 $0x2100, s4;
	s4 =	sld [smem:$0x7E6]  }
0x16b: {  	s1 =	sadd.s32 s22, s1  }
0x16c: {  	[tilespmem:s1+$0x0 ss:$0x21] =	vst.msk $0xffff, v0  }
0x16d: {  	s4 =	smov.u32 @p3 s2;
	s2 =	sadd.s32 @p3 $0x2100, s6;
	s6 =	sld [smem:$0x7DA]  }
0x16e: {  	_ =	sdelay $0x1  }
0x16f: {  	s24 =	sadd.s32 s22, s3;
	s3 =	smov.u32 s6  }
0x170: {  	[tilespmem:s24+$0x0 ss:$0x21] =	vst.msk $0xffff, v7;
	s26 =	sadd.s32 s22, s4;
	s3 =	smov.u32 @p3 s2  }
0x171: {  	[tilespmem:s26+$0x0 ss:$0x21] =	vst.msk $0xffff, v6;
	s29 =	sadd.s32 s22, s3  }
0x172: {  	[tilespmem:s29+$0x0 ss:$0x21] =	vst.msk $0xffff, v5  }
.LBB1_12:
.Ltmp17:
0x173: {  	(pc) =	sbr.rel @p2 .LBB1_15-.Ltmp17, $1  }
0x174: {  	_ =	sdelay $0x3  }
0x175: {  	s2 =	sadd.s32 s11, s19  }
0x176: {  	s0 =	sld [smem:$0x7E5];
	v0 =	vmov s2;
	_ =	sdelay $0x2  }
0x177: {  	s2 =	smov.u32 s14;
	s1 =	sadd.s32 s22, s0  }
.LBB1_14:
0x178: {  	s3 =	sand.u32 $0x70, s2;
	s2 =	sadd.s32 $0x10, s2  }
0x179: {  	v1 =	vld.idx.msk [tilespmem:v0+s3+$0x0 ss:$0x1], $0xffff;
	p3 =	slt.s32 s2, s23  }
.Ltmp18:
0x17a: {  	_ = 	snop;
	(pc) =	sbr.rel @p3 .LBB1_14-.Ltmp18, $2  }
0x17b: {  	_ =	sdelay $0x2  }
0x17c: {  	[tilespmem:s1+$0x0 ss:$0x21] =	vst.msk $0xffff, v1;
	s1 =	sadd.s32 $0x210, s1  }
.Ltmp19:
0x17d: {  	_ = 	snop;
	(pc) =	sbr.rel .LBB1_15-.Ltmp19, $1  }
0x17e: {  	_ =	sdelay $0x3  }
.LBB1_11:
.Ltmp20:
0x17f: {  	(pc) =	sbr.rel .LBB1_26-.Ltmp20, $3  }
0x180: {  	_ =	sdelay $0x1  }
0x181: {  	s1 =	sld [smem:$0x7E7]  }
0x182: {  	s4 =	sld [smem:$0x7E6]  }
.LBB1_23:
0x183: {  	s7 =	sld [smem:$0x7DB]  }
0x184: {  	s4 =	sld [smem:$0x7E6]  }
0x185: {  	s6 =	sld [smem:$0x7DA]  }
0x186: {  	s8 =	sld [smem:$0x7FD]  }
0x187: {  	s9 =	sld [smem:$0x7DC]  }
0x188: {  	s10 =	sld [smem:$0x7DD]  }
0x189: {  	s13 =	sld [smem:$0x7DE]  }
0x18a: {  	s15 =	sld [smem:$0x7DF]  }
.Ltmp21:
0x18b: {  	s16 =	sld [smem:$0x7E0];
	(pc) =	sbr.rel .LBB1_26-.Ltmp21, $4  }
0x18c: {  	s20 =	sld [smem:$0x7E1]  }
0x18d: {  	s25 =	sld [smem:$0x7E2]  }
0x18e: {  	s27 =	smov.u32 s29;
	s17 =	smov.u32 s28;
	s28 =	smov.u32 s31  }
0x18f: {  	v7 =	vmov v3;
	v6 =	vmov v4;
	v5 =	vmov v2;
	s31 =	smov.u32 s0;
	s18 =	smov.u32 s19;
	s19 =	sld [smem:$0x7E3]  }
.LBB1_21:
0x190: {  	_ =	sfence.sel $0x180000  }
0x191: {  	s0 =	simm.s32 $0x1;
	[bflag:$0x0] =	sbarrier.arrive $0xFFFF  }
0x192: {  	s31 =	simm.s32 $0x2;
	[sflag:s0] =	ssyncpa.u1 $0x1  }
0x193: {  	[sflag:s31] =	ssyncpa.u1 $0x1  }
0x194: {  	_ =	strace $0x90000047  }
0x195: {  	[bflag:$0x2] =	sbarrier.arrive $0xFFFF  }
0x196: {  	p0 =	sne.s32 s9, $0x0;
	s0 =	rddreg [dreg:$0x1]  }
0x197: {  	s0 =	sadd.s32 @!p0 $0x100000, s0  }
0x198: {  	[sflag:s0] =	ssyncadd.tile.s32 @!p0 $0x1;
	_ =	shalt  }
.Lfunc_end1:
_tile_overlayer_lowered:
.L_overlay_start_2:
0x199: {  	(tag) =	ssettag $0x2  }
0x19a: {  	s0 =	rddreg [dreg:$0x0];
	s2 =	stileid.u32  }
0x19b: {  	s1 =	rddreg [dreg:$0x1];
	p0 =	sne.s32 s2, $0x0  }
0x19c: {  	s3 =	rddreg [dreg:$0x2];
	[bflag:$0x3] =	sbarrier.arrive $0xFFFF;
	s2 =	simm.s32 @!p0 $0x1C01  }
0x19d: {  	[timem:s3], [sflag:s2] =	dma.local @!p0 [hbm:s0], s1  }
0x19e: {  	s0 =	simm.s32 @!p0 $0x1  }
0x19f: {  	_ =	swait.ge @!p0 [sflag:s0], s1  }
0x1a0: {  	s1 =	ssub.s32 @!p0 $0x0, s1;
	[sflag:s0] =	ssyncset.done @!p0 $0x0  }
0x1a1: {  	[sflag:s0] =	ssyncadd.s32 @!p0 s1  }
0x1a2: {  	[bflag:$0x3] =	sbarrier.arrive $0xFFFF  }
0x1a3: {  	_ =	shalt  }

</sc_bundles>
